<compile_context>
chip_gen: v7x
topology: tpu7x:2x2x1
jax: 0.10.2.dev20260603
libtpu: 0.0.44.dev20260713+nightly
codegen_flags: <defaults>
</compile_context>

<pallas_src>
import functools

import jax
import jax.numpy as jnp
import numpy as np
from jax import lax
from jax.experimental import pallas as pl
from jax.experimental.pallas import tpu as pltpu
from jax.experimental.pallas import tpu_sc as plsc

_BAG = 64
_CLS = 128
_N = 16384
_NC = 2
_NS = 16
_NW = _NC * _NS
_ROWS_PER_W = _N // _NW
_CHUNK = 128
_NCHUNK = _ROWS_PER_W // _CHUNK


def _seg_body(yt_ref, yp_ref,
              sums_ref, cnts_ref,
              idx_v, rows_v, zb_v, ones_v, zc_v, acc_sh, cnt_sh, sem_rows, sem_sc,
              sem_init):
    c = lax.axis_index("c")
    s = lax.axis_index("s")
    wid = s * _NC + c

    loads = []
    pltpu.sync_copy(yt_ref.at[wid], idx_v)

    zeros16 = jnp.zeros((16,), jnp.float32)
    ones16 = jnp.ones((16,), jnp.float32)

    def _fill_zero_row(i, carry):
        for j in range(_CLS // 16):
            zb_v[i, pl.ds(j * 16, 16)] = zeros16
        return carry


    def _fill_ones_row(i, carry):
        ones_v[i, pl.ds(0, 16)] = ones16
        return carry


    def _fill_zc_row(i, carry):
        zc_v[i, pl.ds(0, 16)] = zeros16
        return carry


    pass

    cps = []
    for g in range(_NCHUNK):
        pass
    for cp in cps:
        cp.wait()

    pass


_seg_kernel = functools.partial(
    pl.kernel,
    mesh=plsc.VectorSubcoreMesh(core_axis_name="c", subcore_axis_name="s"),
    out_type=[
        jax.ShapeDtypeStruct((_NW, _BAG, _CLS), jnp.float32),
        jax.ShapeDtypeStruct((_NW, _BAG, 16), jnp.float32),
    ],
    scratch_types=[
        pltpu.VMEM((_NCHUNK, _CHUNK), jnp.int32),
        pltpu.VMEM((_ROWS_PER_W, _CLS), jnp.float32),
        pltpu.VMEM((_BAG, _CLS), jnp.float32),
        pltpu.VMEM((_CHUNK, 16), jnp.float32),
        pltpu.VMEM((_BAG, 16), jnp.float32),
        pltpu.VMEM_SHARED((_NS, _BAG, _CLS), jnp.float32),
        pltpu.VMEM_SHARED((_NS, _BAG, 16), jnp.float32),
        pltpu.SemaphoreType.DMA((_NCHUNK,)),
        pltpu.SemaphoreType.DMA,
        pltpu.SemaphoreType.DMA,
    ],
)(_seg_body)


def _finish_body(sums_ref, cnts_ref, theta_ref, out_ref):
    sums = jnp.sum(sums_ref[...], axis=0)
    cnts = jnp.sum(cnts_ref[...], axis=0)
    cnt = cnts[:, 0:1]
    means = sums / cnt
    m = jnp.max(means, axis=-1, keepdims=True)
    e = jnp.exp(means - m)
    se = jnp.sum(e, axis=-1, keepdims=True)
    sm = e / se
    theta_c = jnp.clip(theta_ref[...], 1e-7, 1.0 - 1e-7)
    loss = -theta_c * jnp.log(sm + 1e-7)
    out_ref[...] = jnp.sum(loss).reshape(1, 1)


def kernel(y_true, y_pred, theta):
    yt2 = y_true.astype(jnp.int32).reshape(_NW, _NCHUNK, _CHUNK)
    sums2, cnts2 = _seg_kernel(yt2, y_pred)
    out = pl.pallas_call(
        _finish_body,
        out_shape=jax.ShapeDtypeStruct((1, 1), jnp.float32),
    )(sums2, cnts2, theta.reshape(_BAG, 1))
    return out[0, 0]

# --- scband reference (transcript-rebuilt; emitter-appended) ---
"""Pipeline reference for scband-prop-31275951849585 (READ-ONLY COPY).

The authoritative reference and input builder live on the scoring server;
editing this copy changes nothing except your own understanding.
"""

import jax, jax.numpy as jnp
import numpy as np

BAG = 64
CLS = 128
N = 16384


def setup_inputs(seed: int = 0) -> dict:
    key = jax.random.key(seed)
    k1, k2 = jax.random.split(key)
    y_true = jax.random.randint(k1, (N,), 0, BAG)
    y_pred = jax.random.normal(k2, (N, CLS), dtype=jnp.float32)
    theta = jnp.full((BAG,), 1.0 / CLS, dtype=jnp.float32)
    return {"y_true": y_true, "y_pred": y_pred, "theta": theta}


def reference(y_true, y_pred, theta):
    # one-hot bag mask + per-bag mean prediction == segment mean over bag ids
    ones = jnp.ones((y_pred.shape[0],), dtype=jnp.float32)
    counts = jax.ops.segment_sum(ones, y_true, num_segments=BAG)
    sums = jax.ops.segment_sum(y_pred, y_true, num_segments=BAG)
    means = sums / counts[:, None]  # [BAG, CLS], mean prediction per bag
    # CE_loss applied per bag: true_prop is theta[i] (scalar), clamped
    theta_c = jnp.clip(theta, 1e-07, 1.0 - 1e-07)  # [BAG]
    sm = jax.nn.softmax(means, axis=-1)  # F.softmax over last dim of 1D vector
    loss = -theta_c[:, None] * jnp.log(sm + 1e-07)  # [BAG, CLS]
    # torch: sum(loss, dim=-1).mean() on a per-bag 1D vector -> scalar per bag
    P_loss = jnp.sum(loss, axis=-1)  # [BAG]
    ProportionLoss = jnp.sum(P_loss)
    return ProportionLoss

if __name__ == "__main__":
    import jax
    _d = setup_inputs()
    print(jax.jit(kernel)(*tuple(_d.values())))

</pallas_src>

<mosaic_0001>
#map = affine_map<(d0, d1) -> (0, 0, 0)>
#map1 = affine_map<(d0, d1) -> (0, 0)>
module attributes {stable_mosaic.version = 14 : i64} {
  func.func @_seg_body(%arg0: i32, %arg1: i32, %arg2: memref<32x4x128xi32, #tpu.memory_space<hbm>>, %arg3: memref<16384x128xf32, #tpu.memory_space<hbm>>, %arg4: memref<32x64x128xf32, #tpu.memory_space<hbm>>, %arg5: memref<32x64x16xf32, #tpu.memory_space<hbm>>, %arg6: memref<4x128xi32, #tpu.memory_space<vmem>>, %arg7: memref<512x128xf32, #tpu.memory_space<vmem>>, %arg8: memref<64x128xf32, #tpu.memory_space<vmem>>, %arg9: memref<128x16xf32, #tpu.memory_space<vmem>>, %arg10: memref<64x16xf32, #tpu.memory_space<vmem>>, %arg11: memref<16x64x128xf32, #tpu.memory_space<vmem_shared>>, %arg12: memref<16x64x16xf32, #tpu.memory_space<vmem_shared>>, %arg13: memref<4x!tpu.dma_semaphore, #tpu.memory_space<semaphore_mem>>, %arg14: memref<!tpu.dma_semaphore, #tpu.memory_space<semaphore_mem>>, %arg15: memref<!tpu.dma_semaphore, #tpu.memory_space<semaphore_mem>>) attributes {dimension_semantics = [#tpu.dimension_semantics<core_parallel>, #tpu.dimension_semantics<subcore_parallel>], iteration_bounds = array<i64: 2, 16>, scalar_prefetch = 0 : i64, scratch_operands = 10 : i64, tpu.core_type = #tpu.core_type<sc_vector_subcore>, window_params = [{transform_indices = #map}, {transform_indices = #map1}, {transform_indices = #map}, {transform_indices = #map}]} {
    %mul3A = arith.constant 2 : i32
    %mul3A_0 = arith.muli %arg1, %mul3A : i32
    %add3A = arith.addi %mul3A_0, %arg0 : i32
    "tpu.region"() ({
      %run_scoped3A = tpu.sem_alloc : memref<!tpu.dma_semaphore, #tpu.memory_space<semaphore_mem>>
      %dma_start3A = arith.constant 0 : i32
      %dma_start3A_4 = arith.constant 0 : i32
      %dma_start3A_5 = tpu.memref_slice %arg2[%add3A, %dma_start3A, %dma_start3A_4] : memref<32x4x128xi32, #tpu.memory_space<hbm>> -> memref<1x4x128xi32, #tpu.memory_space<hbm>>
      %dma_start3A_6 = tpu.memref_squeeze %dma_start3A_5 : memref<1x4x128xi32, #tpu.memory_space<hbm>> -> memref<4x128xi32, #tpu.memory_space<hbm>>
      %dma_start3A_7 = arith.constant 0 : i32
      %dma_start3A_8 = arith.constant 0 : i32
      %dma_start3A_9 = tpu.memref_slice %arg2[%add3A, %dma_start3A_7, %dma_start3A_8] : memref<32x4x128xi32, #tpu.memory_space<hbm>> -> memref<1x4x128xi32, #tpu.memory_space<hbm>>
      %dma_start3A_10 = tpu.memref_squeeze %dma_start3A_9 : memref<1x4x128xi32, #tpu.memory_space<hbm>> -> memref<4x128xi32, #tpu.memory_space<hbm>>
      tpu.enqueue_dma source(%dma_start3A_10 : memref<4x128xi32, #tpu.memory_space<hbm>>) target(%arg6 : memref<4x128xi32, #tpu.memory_space<vmem>>) target_semaphore(%run_scoped3A : memref<!tpu.dma_semaphore, #tpu.memory_space<semaphore_mem>>)
      %dma_wait3A = arith.constant 0 : i32
      %dma_wait3A_11 = arith.constant 0 : i32
      %dma_wait3A_12 = tpu.memref_slice %arg2[%add3A, %dma_wait3A, %dma_wait3A_11] : memref<32x4x128xi32, #tpu.memory_space<hbm>> -> memref<1x4x128xi32, #tpu.memory_space<hbm>>
      %dma_wait3A_13 = tpu.memref_squeeze %dma_wait3A_12 : memref<1x4x128xi32, #tpu.memory_space<hbm>> -> memref<4x128xi32, #tpu.memory_space<hbm>>
      %dma_wait3A_14 = arith.constant 0 : i32
      %dma_wait3A_15 = arith.constant 0 : i32
      %dma_wait3A_16 = tpu.memref_slice %arg2[%add3A, %dma_wait3A_14, %dma_wait3A_15] : memref<32x4x128xi32, #tpu.memory_space<hbm>> -> memref<1x4x128xi32, #tpu.memory_space<hbm>>
      %dma_wait3A_17 = tpu.memref_squeeze %dma_wait3A_16 : memref<1x4x128xi32, #tpu.memory_space<hbm>> -> memref<4x128xi32, #tpu.memory_space<hbm>>
      tpu.wait_dma2 semaphore(%run_scoped3A : memref<!tpu.dma_semaphore, #tpu.memory_space<semaphore_mem>>) src(%dma_wait3A_17 : memref<4x128xi32, #tpu.memory_space<hbm>>) dst(%arg6 : memref<4x128xi32, #tpu.memory_space<vmem>>)
      tpu.yield
    }) : () -> ()
    %broadcast_in_dim3A = arith.constant 0.000000e+00 : f32
    %broadcast_in_dim3A_1 = vector.broadcast %broadcast_in_dim3A : f32 to vector<16xf32>
    %broadcast_in_dim3A_2 = arith.constant 1.000000e+00 : f32
    %broadcast_in_dim3A_3 = vector.broadcast %broadcast_in_dim3A_2 : f32 to vector<16xf32>
    return
  }
}

module attributes {stable_mosaic.version = 14 : i64} {
  func.func @_finish_body(%arg0: memref<32x64x128xf32, #tpu.memory_space<vmem>>, %arg1: memref<32x64x16xf32, #tpu.memory_space<vmem>>, %arg2: memref<64x1xf32, #tpu.memory_space<vmem>>, %arg3: memref<1x1xf32, #tpu.memory_space<vmem>>) attributes {dimension_semantics = [], scalar_prefetch = 0 : i64, scratch_operands = 0 : i64, tpu.core_type = #tpu.core_type<tc>} {
    %get3A = arith.constant 0 : index
    %get3A_0 = arith.constant 0 : index
    %get3A_1 = arith.constant 0 : index
    %get3A_2 = vector.load %arg0[%get3A, %get3A_0, %get3A_1] : memref<32x64x128xf32, #tpu.memory_space<vmem>>, vector<32x64x128xf32>
    %reduce_sum3A = arith.constant dense<0.000000e+00> : vector<64x128xf32>
    %reduce_sum3A_3 = vector.multi_reduction <add>, %get3A_2, %reduce_sum3A [0] : vector<32x64x128xf32> to vector<64x128xf32>
    %get3A_4 = arith.constant 0 : index
    %get3A_5 = arith.constant 0 : index
    %get3A_6 = arith.constant 0 : index
    %get3A_7 = vector.load %arg1[%get3A_4, %get3A_5, %get3A_6] : memref<32x64x16xf32, #tpu.memory_space<vmem>>, vector<32x64x16xf32>
    %reduce_sum3A_8 = arith.constant dense<0.000000e+00> : vector<64x16xf32>
    %reduce_sum3A_9 = vector.multi_reduction <add>, %get3A_7, %reduce_sum3A_8 [0] : vector<32x64x16xf32> to vector<64x16xf32>
    %slice3A = vector.extract_strided_slice %reduce_sum3A_9 {offsets = [0, 0], sizes = [64, 1], strides = [1, 1]} : vector<64x16xf32> to vector<64x1xf32>
    %div3A = vector.broadcast %slice3A : vector<64x1xf32> to vector<64x128xf32>
    %div3A_10 = arith.divf %reduce_sum3A_3, %div3A : vector<64x128xf32>
    %reduce_max3A = arith.constant dense<0xFF800000> : vector<64xf32>
    %reduce_max3A_11 = vector.multi_reduction <maximumf>, %div3A_10, %reduce_max3A [1] : vector<64x128xf32> to vector<64xf32>
    %broadcast_in_dim3A = vector.shape_cast %reduce_max3A_11 : vector<64xf32> to vector<64x1xf32>
    %sub3A = vector.broadcast %broadcast_in_dim3A : vector<64x1xf32> to vector<64x128xf32>
    %sub3A_12 = arith.subf %div3A_10, %sub3A : vector<64x128xf32>
    %exp3A = math.exp %sub3A_12 : vector<64x128xf32>
    %reduce_sum3A_13 = arith.constant dense<0.000000e+00> : vector<64xf32>
    %reduce_sum3A_14 = vector.multi_reduction <add>, %exp3A, %reduce_sum3A_13 [1] : vector<64x128xf32> to vector<64xf32>
    %broadcast_in_dim3A_15 = vector.shape_cast %reduce_sum3A_14 : vector<64xf32> to vector<64x1xf32>
    %div3A_16 = vector.broadcast %broadcast_in_dim3A_15 : vector<64x1xf32> to vector<64x128xf32>
    %div3A_17 = arith.divf %exp3A, %div3A_16 : vector<64x128xf32>
    %get3A_18 = arith.constant 0 : index
    %get3A_19 = arith.constant 0 : index
    %get3A_20 = vector.load %arg2[%get3A_18, %get3A_19] : memref<64x1xf32, #tpu.memory_space<vmem>>, vector<64x1xf32>
    %jit3A = arith.constant 1.000000e-07 : f32
    %jit3A_21 = arith.constant 0.99999988 : f32
    %max3A = vector.broadcast %jit3A : f32 to vector<64x1xf32>
    %max3A_22 = arith.maximumf %max3A, %get3A_20 : vector<64x1xf32>
    %min3A = vector.broadcast %jit3A_21 : f32 to vector<64x1xf32>
    %min3A_23 = arith.minimumf %min3A, %max3A_22 : vector<64x1xf32>
    %neg3A = arith.constant 0.000000e+00 : f32
    %neg3A_24 = vector.broadcast %neg3A : f32 to vector<64x1xf32>
    %neg3A_25 = arith.subf %neg3A_24, %min3A_23 : vector<64x1xf32>
    %add3A = arith.constant 1.000000e-07 : f32
    %add3A_26 = vector.broadcast %add3A : f32 to vector<64x128xf32>
    %add3A_27 = arith.addf %div3A_17, %add3A_26 : vector<64x128xf32>
    %log3A = math.log %add3A_27 : vector<64x128xf32>
    %mul3A = vector.broadcast %neg3A_25 : vector<64x1xf32> to vector<64x128xf32>
    %mul3A_28 = arith.mulf %mul3A, %log3A : vector<64x128xf32>
    %reduce_sum3A_29 = vector.shape_cast %mul3A_28 : vector<64x128xf32> to vector<1x64x128xf32>
    %reduce_sum3A_30 = arith.constant dense<0.000000e+00> : vector<1xf32>
    %reduce_sum3A_31 = vector.multi_reduction <add>, %reduce_sum3A_29, %reduce_sum3A_30 [1, 2] : vector<1x64x128xf32> to vector<1xf32>
    %reduce_sum3A_32 = vector.shape_cast %reduce_sum3A_31 : vector<1xf32> to vector<1x1x1xf32>
    %reduce_sum3A_33 = vector.extract %reduce_sum3A_32[0, 0, 0] : f32 from vector<1x1x1xf32>
    %reshape3A = vector.broadcast %reduce_sum3A_33 : f32 to vector<1x1xf32>
    %swap3A = arith.constant 0 : index
    %swap3A_34 = arith.constant 0 : index
    %swap3A_35 = vector.load %arg3[%swap3A, %swap3A_34] : memref<1x1xf32, #tpu.memory_space<vmem>>, vector<1x1xf32>
    tpu.vector_store %arg3[%swap3A, %swap3A_34], %reshape3A {strides = array<i32>} : memref<1x1xf32, #tpu.memory_space<vmem>>, vector<1x1xf32>,
    return
  }
}

</mosaic_0001>

<sc_bundles>
// kernel: kernel.4.cloned.1.call-start
scs
__scs_entry_jumppad:
0x0: {  	(pc) =	sbr.rel $0x88, $3  }
0x1: {  	(tag) =	ssettag $0x0;
	lr =	simm.s32 $0x1  }
0x2: {  	[smem:$0x3F9E] =	sst lr;
	_ =	strace $0xD0000000  }
0x3: {  	_ = 	snop  }
0x4: {  	_ = 	snop  }
0x5: {  	_ = 	snop  }
0x6: {  	_ = 	snop  }
0x7: {  	_ = 	snop  }
__scs_overlays_trampoline_lowered:
0x8: {  	[smem:$0x3FAD] =	sst s0  }
0x9: {  	[smem:$0x3FAE] =	sst s1  }
0xa: {  	[smem:$0x3FAF] =	sst s2  }
0xb: {  	[smem:$0x3FB0] =	sst s3  }
0xc: {  	[smem:$0x3FB1] =	sst s4  }
0xd: {  	[smem:$0x3FB2] =	sst s5  }
0xe: {  	[smem:$0x3FB3] =	sst s6  }
0xf: {  	[smem:$0x3FB4] =	sst s7  }
0x10: {  	[smem:$0x3FB5] =	sst s8  }
0x11: {  	[smem:$0x3FB6] =	sst s9;
	s0 =	simm.s32 @!p0 $0x0  }
0x12: {  	s1 =	sld [smem:$0x3F9C];
	s0 =	simm.s32 @p0 $0x1  }
0x13: {  	[smem:$0x3FB7] =	sst s0;
	s0 =	simm.s32 @!p1 $0x0  }
0x14: {  	s2 =	sld [smem:$0x3F9B];
	s0 =	simm.s32 @p1 $0x1  }
0x15: {  	[smem:$0x3FB8] =	sst s0;
	s0 =	simm.s32 @!p2 $0x0  }
0x16: {  	s3 =	sld [smem:$0x3FDB];
	s0 =	simm.s32 @p2 $0x1  }
0x17: {  	s4 =	simm.s32 $0x1BF5;
	[smem:$0x3FBA] =	sst s0  }
0x18: {  	s0 =	sld [smem:$0x3F9D];
	_ =	swait.ge [sflag:s4], $0x0  }
0x19: {  	s7 =	sld [smem:$0x3F9E]  }
0x1a: {  	s8 =	sadd.s32 $0xFFFFE003, lr  }
0x1b: {  	s9 =	sadd.s32 $0xFFFFFEF7, lr;
	s5 =	simm.s32 $0xFFFFFFFF;
	p2 =	slt.u32 s8, $0xFFFFF086  }
0x1c: {  	p1 =	slt.u32 s9, $0xF7A;
	s5 =	simm.s32 @!p2 $0x0  }
0x1d: {  	s5 =	simm.s32 @p1 $0x1;
	p0 =	seq.s32 s7, s2  }
0x1e: {  	s7 =	smul.u32 @!p0 $0xF7A, s2;
	p2 =	seq.s32 @!p0 s5, $0x0  }
0x1f: {  	s9 =	smul.u32 $0xF7A, s1;
	s8 =	simm.s32 @!p0 $0x1BF5;
	p2 =	por !p2, p0  }
0x20: {  	[sflag:s8] =	ssyncset.s32 @!p0 $0xFFFFF086;
	s6 =	sadd.s32 @!p0 s3, s7;
	s7 =	simm.s32 @!p0 $0x108  }
0x21: {  	s3 =	sadd.s32 s3, s9;
	s6 =	sadd.s32 @!p0 $0x88, s6;
	s7 =	simm.s32 @p2 $0x1082  }
0x22: {  	[simem:s7], [sflag:s8] =	dma.local @!p0 [hbm:s6], $0xF7A  }
0x23: {  	s9 =	sor.u32 $0xD0000000, s2;
	s6 =	simm.s32 $0x108;
	_ =	swait.ge @!p0 [sflag:s8], $0x0  }
0x24: {  	s3 =	sadd.s32 $0x88, s3;
	s6 =	simm.s32 @!p1 $0x1082;
	[sflag:s4] =	ssyncset.s32 $0xFFFFF086  }
0x25: {  	[simem:s6], [sflag:s4] =	dma.local [hbm:s3], $0xF7A  }
0x26: {  	[smem:$0x3F9E] =	sst s1;
	(tag) =	ssettag s2;
	_ =	strace s9  }
0x27: {  	s1 =	sld [smem:$0x3FAE]  }
0x28: {  	s2 =	sld [smem:$0x3FAF]  }
0x29: {  	s4 =	sld [smem:$0x3FB1]  }
0x2a: {  	p0 =	seq.s32 s5, $0x0;
	s5 =	sld [smem:$0x3FB2]  }
0x2b: {  	s6 =	sld [smem:$0x3FB3]  }
0x2c: {  	s7 =	sld [smem:$0x3FB4]  }
0x2d: {  	s3 =	simm.s32 $0x108;
	s8 =	sld [smem:$0x3FB5]  }
0x2e: {  	s3 =	simm.s32 @!p0 $0x1082;
	s9 =	sld [smem:$0x3FB6]  }
0x2f: {  	lr =	sadd.s32 s0, s3;
	s0 =	sld [smem:$0x3FAD]  }
0x30: {  	s3 =	sld [smem:$0x3FB0]  }
0x31: {  	[smem:$0x3FB9] =	sst s10  }
0x32: {  	s10 =	sld [smem:$0x3FB7];
	_ =	sdelay $0x3  }
0x33: {  	p0 =	seq.s32 s10, $0x1;
	s10 =	sld [smem:$0x3FB9];
	_ =	sdelay $0x3  }
0x34: {  	[smem:$0x3FB9] =	sst s10  }
0x35: {  	s10 =	sld [smem:$0x3FB8];
	_ =	sdelay $0x3  }
0x36: {  	p1 =	seq.s32 s10, $0x1;
	s10 =	sld [smem:$0x3FB9];
	_ =	sdelay $0x3  }
0x37: {  	[smem:$0x3FB9] =	sst s10  }
0x38: {  	s10 =	sld [smem:$0x3FBA]  }
0x39: {  	_ = 	snop;
	(pc) =	sbr.ind lr, $3  }
0x3a: {  	_ = 	snop  }
0x3b: {  	_ = 	snop  }
0x3c: {  	p2 =	seq.s32 s10, $0x1;
	s10 =	sld [smem:$0x3FB9]  }
0x3d: {  	_ =	shalt  }
0x3e: {  	_ =	shalt  }
0x3f: {  	_ =	shalt  }
0x40: {  	_ =	shalt  }
0x41: {  	_ =	shalt  }
0x42: {  	_ =	shalt  }
0x43: {  	_ =	shalt  }
0x44: {  	_ =	shalt  }
0x45: {  	_ =	shalt  }
0x46: {  	_ =	shalt  }
0x47: {  	_ =	shalt  }
0x48: {  	_ =	shalt  }
0x49: {  	_ =	shalt  }
0x4a: {  	_ =	shalt  }
0x4b: {  	_ =	shalt  }
0x4c: {  	_ =	shalt  }
0x4d: {  	_ =	shalt  }
0x4e: {  	_ =	shalt  }
0x4f: {  	_ =	shalt  }
0x50: {  	_ =	shalt  }
0x51: {  	_ =	shalt  }
0x52: {  	_ =	shalt  }
0x53: {  	_ =	shalt  }
0x54: {  	_ =	shalt  }
0x55: {  	_ =	shalt  }
0x56: {  	_ =	shalt  }
0x57: {  	_ =	shalt  }
0x58: {  	_ =	shalt  }
0x59: {  	_ =	shalt  }
0x5a: {  	_ =	shalt  }
0x5b: {  	_ =	shalt  }
0x5c: {  	_ =	shalt  }
0x5d: {  	_ =	shalt  }
0x5e: {  	_ =	shalt  }
0x5f: {  	_ =	shalt  }
0x60: {  	_ =	shalt  }
0x61: {  	_ =	shalt  }
0x62: {  	_ =	shalt  }
0x63: {  	_ =	shalt  }
0x64: {  	_ =	shalt  }
0x65: {  	_ =	shalt  }
0x66: {  	_ =	shalt  }
0x67: {  	_ =	shalt  }
0x68: {  	_ =	shalt  }
0x69: {  	_ =	shalt  }
0x6a: {  	_ =	shalt  }
0x6b: {  	_ =	shalt  }
0x6c: {  	_ =	shalt  }
0x6d: {  	_ =	shalt  }
0x6e: {  	_ =	shalt  }
0x6f: {  	_ =	shalt  }
0x70: {  	_ =	shalt  }
0x71: {  	_ =	shalt  }
0x72: {  	_ =	shalt  }
0x73: {  	_ =	shalt  }
0x74: {  	_ =	shalt  }
0x75: {  	_ =	shalt  }
0x76: {  	_ =	shalt  }
0x77: {  	_ =	shalt  }
0x78: {  	_ =	shalt  }
0x79: {  	_ =	shalt  }
0x7a: {  	_ =	shalt  }
0x7b: {  	_ =	shalt  }
0x7c: {  	_ =	shalt  }
0x7d: {  	_ =	shalt  }
0x7e: {  	_ =	shalt  }
0x7f: {  	_ =	shalt  }
0x80: {  	_ =	shalt  }
0x81: {  	_ =	shalt  }
0x82: {  	_ =	shalt  }
0x83: {  	_ =	shalt  }
0x84: {  	_ =	shalt  }
0x85: {  	_ =	shalt  }
0x86: {  	_ =	shalt  }
0x87: {  	_ =	shalt  }
.Lfunc_end0:
.L_simem_size_0:
called_computation_lowered:
.L_overlay_start_0:
0x88: {  	s2 =	sld [smem:$0x3FD9]  }
0x89: {  	s3 =	sld [smem:$0x3FFE];
	_ =	sdelay $0x1  }
0x8a: {  	s1 =	srdreg.scid  }
0x8b: {  	s0 =	sand.u32 $0x1, s1  }
0x8c: {  	s18 =	sshll.u32 s0, $0xA;
	s2 =	sadd.s32 s3, s2  }
0x8d: {  	s2 =	sadd.s32 s2, s18  }
0x8e: {  	[smem:$0x3FC5] =	sst s2  }
0x8f: {  	_ = 	snop  }
0x90: {  	s2 =	sld [smem:$0x3FC9];
	(tm) =	ssettm $0x1  }
0x91: {  	s19 =	sld [smem:$0x3FFB];
	_ =	sdelay $0x3  }
0x92: {  	_ =	strace s19  }
0x93: {  	s3 =	sld [smem:$0x3FFC];
	_ =	sdelay $0x3  }
0x94: {  	_ =	strace s3  }
0x95: {  	s3 =	sld [smem:$0x3FFD];
	_ =	sdelay $0x3  }
0x96: {  	_ =	strace s3  }
0x97: {  	_ =	strace $0x8FFFFFFF  }
0x98: {  	s20 =	sld [smem:$0x3FDB];
	_ =	sdelay $0x1  }
0x99: {  	s4 =	simm.s32 $_scs_section_size  }
0x9a: {  	s5 =	simm.s32 $_size__tile_overlayer_lowered;
	s6 =	simm.s32 $_tile_overlayer_lowered  }
0x9b: {  	s23 =	simm.s32 $0x1BFF;
	s22 =	sshll.u32 s6, $0x1;
	s3 =	sadd.s32 s4, s20  }
0x9c: {  	s7 =	simm.s32 $0x0;
	s21 =	sshll.u32 s5, $0x1;
	s5 =	sadd.s32 s22, s3  }
0x9d: {  	[timem:s7], [sflag:s23] =	dma.local [hbm:s5], s21  }
0x9e: {  	_ =	swait.ge [sflag:s23], s21  }
0x9f: {  	s4 =	ssub.s32 $0x0, s21;
	[sflag:s23] =	ssyncset.done $0x0  }
0xa0: {  	[sflag:s23] =	ssyncadd.s32 s4;
	_ =	sdelay $0x1  }
0xa1: {  	s24 =	simm.s32 $0x1B8B  }
0xa2: {  	_ =	swait.ge [sflag:s24], $0x1  }
0xa3: {  	[sflag:s24] =	ssyncset.done $0x0  }
0xa4: {  	s25 =	simm.s32 $0x1B8E;
	[sflag:s24] =	ssyncadd.s32 $0xFFFFFFFF  }
0xa5: {  	s26 =	simm.s32 $execute0_lowered;
	[smem:$0x3FD2] =	sst s25  }
0xa6: {  	s4 =	sshll.u32 s26, $0x1;
	_ =	strace $0x80000046;
	[dreg:$0x1] =	wrdreg $0xFFFFFFFF  }
0xa7: {  	s28 =	simm.s32 $_size_execute0_lowered;
	s3 =	sadd.s32 s3, s4;
	[dreg:$0x0] =	wrdreg $0x0  }
0xa8: {  	s4 =	sshll.u32 s28, $0x1;
	[dreg:$0x2] =	wrdreg s3  }
0xa9: {  	[dreg:$0x3] =	wrdreg s4  }
0xaa: {  	[dreg:$0x4] =	wrdreg $0xC0  }
0xab: {  	_ =	task [dreg:s7], $0x5FFFF  }
0xac: {  	[dreg:$0x1] =	wrdreg $0xFFFFFFFF  }
0xad: {  	[dreg:$0x0] =	wrdreg $0x60  }
0xae: {  	[dreg:$0x2] =	wrdreg s2  }
0xaf: {  	[dreg:$0x3] =	wrdreg $0x9  }
0xb0: {  	_ =	task.clear_ibuf [dreg:s7], $0x4FFFF;
	_ =	strace $0x90000046  }
0xb1: {  	s29 =	simm.s32 $0x9;
	_ =	strace $0x80000048  }
0xb2: {  	_ =	swait.ge [sflag:s29], $0x1  }
0xb3: {  	[sflag:s29] =	ssyncadd.s32 $0xFFFFFFFF  }
0xb4: {  	_ =	strace $0x90000048  }
0xb5: {  	_ =	sfence  }
0xb6: {  	s30 =	sld [smem:$0x0];
	_ =	sdelay $0x2  }
0xb7: {  	s31 =	sshll.u32 s1, $0xD;
	s1 =	sshrl.u32 s1, $0x2  }
0xb8: {  	s3 =	sand.u32 $0x4000, s31;
	s1 =	sadd.s32 s1, s30  }
0xb9: {  	s0 =	sor.u32 s3, s0;
	s1 =	sshll.u32 s1, $0x11  }
0xba: {  	s0 =	sor.u32 s1, s0  }
0xbb: {  	s0 =	sadd.s32 $0x8F2B, s0  }
0xbc: {  	[sflag:s0] =	ssyncadd.remote.s32 $0x1  }
0xbd: {  	_ =	sfence.sel $0xFFFF  }
0xbe: {  	[dreg:$0x0] =	wrdreg $0xFFFFFFFF;
	(pc) =	sbr.abs _section_cstart, $3  }
0xbf: {  	[dreg:$0x1] =	wrdreg $0xFFFFFFFF  }
0xc0: {  	_ =	task.clear_ibuf [dreg:s7], $0x2FFFF;
	_ =	strace $0x9FFFFFFF  }
0xc1: {  	(tm) =	ssettm $0x7FFFFFFF  }
tec
execute0_lowered:
.L_overlay_start_1:
0x0: {  	(tag) =	ssettag $0x1  }
0x1: {  	s2 =	srdreg.scid  }
0x2: {  	s4 =	sand.u32 $0x1, s2  }
0x3: {  	s5 =	ssub.s32 $0x2, s4  }
0x4: {  	s3 =	rddreg [dreg:$0x0];
	s6 =	sshrl.u32 s5, $0x1  }
0x5: {  	s0 =	rddreg [dreg:$0x1];
	s1 =	simm.s32 $0x0;
	s5 =	ssub.s32 s5, s6  }
0x6: {  	[smem:$0x7FF] =	sst s1;
	s5 =	smax.u32 s5, $0x1  }
0x7: {  	s2 =	stileid.u32;
	s4 =	sshll.u32 s4, $0x6;
	p0 =	sne.s32 s5, $0x1  }
.Ltmp0:
0x8: {  	s31 =	sshll.u32 s2, $0x7;
	s3 =	sadd.s32 s3, s4;
	(pc) =	sbr.rel @!p0 .LBB2_2-.Ltmp0, $4  }
0x9: {  	_ =	strace $0x80000047;
	s4 =	simm.s32 $0x1;
	s3 =	sadd.s32 s31, s3  }
0xa: {  	[tilespmem:s1], [sflag:$0x1] =	stream.linear.gather [hbm4b:s3+s1], $0x200, $0x38;
	[tilespmem:$0x200] =	vst v63  }
0xb: {  	_ =	swait.ge [sflag:s4], $0x200  }
0xc: {  	s5 =	sadd.s32 $0xFFFFFFFF, s5;
	[sflag:s4] =	ssyncset.done $0x0  }
.LBB2_1:
0xd: {  	p0 =	sne.s32 s5, $0x1;
	s5 =	sadd.s32 $0xFFFFFFFF, s5;
	[sflag:s4] =	ssyncadd.s32 $0xFFFFFE00  }
.Ltmp1:
0xe: {  	(pc) =	sbr.rel @p0 .LBB2_1-.Ltmp1, $4  }
0xf: {  	_ = 	snop  }
0x10: {  	[tilespmem:s1], [sflag:$0x1] =	stream.linear.gather [hbm4b:s3+s1], $0x200, $0x38;
	[tilespmem:$0x200] =	vst v63  }
0x11: {  	_ =	swait.ge [sflag:s4], $0x200  }
0x12: {  	[sflag:s4] =	ssyncset.done $0x0  }
.LBB2_2:
0x13: {  	[sflag:s4] =	ssyncadd.s32 $0xFFFFFE00  }
0x14: {  	_ =	sfence.sel $0x180000  }
0x15: {  	[bflag:$0x0] =	sbarrier.arrive $0xFFFF  }
0x16: {  	p0 =	sne.s32 s2, $0x0;
	_ =	strace $0x90000047  }
0x17: {  	s0 =	sadd.s32 @!p0 $0x100000, s0;
	[bflag:$0x2] =	sbarrier.arrive $0xFFFF  }
0x18: {  	[sflag:s0] =	ssyncadd.tile.s32 @!p0 $0x1;
	_ =	shalt  }
.Lfunc_end2:
_tile_overlayer_lowered:
.L_overlay_start_2:
0x19: {  	(tag) =	ssettag $0x2  }
0x1a: {  	s0 =	rddreg [dreg:$0x0];
	s2 =	stileid.u32  }
0x1b: {  	s1 =	rddreg [dreg:$0x1];
	p0 =	sne.s32 s2, $0x0  }
0x1c: {  	s3 =	rddreg [dreg:$0x2];
	[bflag:$0x3] =	sbarrier.arrive $0xFFFF;
	s2 =	simm.s32 @!p0 $0x1C01  }
0x1d: {  	[timem:s3], [sflag:s2] =	dma.local @!p0 [hbm:s0], s1  }
0x1e: {  	s0 =	simm.s32 @!p0 $0x1  }
0x1f: {  	_ =	swait.ge @!p0 [sflag:s0], s1  }
0x20: {  	s1 =	ssub.s32 @!p0 $0x0, s1;
	[sflag:s0] =	ssyncset.done @!p0 $0x0  }
0x21: {  	[sflag:s0] =	ssyncadd.s32 @!p0 s1  }
0x22: {  	[bflag:$0x3] =	sbarrier.arrive $0xFFFF  }
0x23: {  	_ =	shalt  }

</sc_bundles>
